<compile_context>
chip_gen: v7x
topology: tpu7x:2x2x1
jax: 0.10.2.dev20260603
libtpu: 0.0.44.dev20260713+nightly
codegen_flags: <defaults>
</compile_context>

<pallas_src>
import functools

import jax
import jax.numpy as jnp
from jax import lax
from jax.experimental import pallas as pl
from jax.experimental.pallas import tpu as pltpu
from jax.experimental.pallas import tpu_sc as plsc

WORLD = 5
OPTS = 6
B = 16384
NC = 2
NS = 16
L = 16
NW = NC * NS
CHUNK = B // NW
TAB = 2 * WORLD * OPTS
GAMMA = 0.99
NACC = 4


def _sc_partials(tab, states, next_states, actions, rewards, dones):
    mesh = plsc.VectorSubcoreMesh(core_axis_name="c", subcore_axis_name="s")

    @functools.partial(
        pl.kernel,
        mesh=mesh,
        out_type=jax.ShapeDtypeStruct((NW // 8, 8 * L), jnp.float32),
        compiler_params=pltpu.CompilerParams(needs_layout_passes=False),
        scratch_types=[
            pltpu.VMEM((3 * CHUNK,), jnp.int32),
            pltpu.VMEM((2 * CHUNK,), jnp.float32),
            pltpu.VMEM((TAB,), jnp.float32),
            pltpu.VMEM((L,), jnp.float32),
            pltpu.SemaphoreType.DMA,
        ],
    )
    def k(tab_hbm, st_hbm, ns_hbm, ac_hbm, rw_hbm, dn_hbm, out_hbm,
          i_v, f_v, tab_v, part_v, sem):
        wid = lax.axis_index("s") * NC + lax.axis_index("c")
        base = wid * CHUNK
        copies = [
            pltpu.async_copy(tab_hbm, tab_v, sem),
            pltpu.async_copy(st_hbm.at[pl.ds(base, CHUNK)],
                             i_v.at[pl.ds(0, CHUNK)], sem),
            pltpu.async_copy(ns_hbm.at[pl.ds(base, CHUNK)],
                             i_v.at[pl.ds(CHUNK, CHUNK)], sem),
            pltpu.async_copy(ac_hbm.at[pl.ds(base, CHUNK)],
                             i_v.at[pl.ds(2 * CHUNK, CHUNK)], sem),
            pltpu.async_copy(rw_hbm.at[pl.ds(base, CHUNK)],
                             f_v.at[pl.ds(0, CHUNK)], sem),
            pltpu.async_copy(dn_hbm.at[pl.ds(base, CHUNK)],
                             f_v.at[pl.ds(CHUNK, CHUNK)], sem),
        ]
        for c in copies:
            c.wait()

        row = jnp.minimum(lax.iota(jnp.int32, L), WORLD - 1) * OPTS
        m = plsc.load_gather(tab_v, [row + (WORLD * OPTS)])
        for j in range(1, OPTS):
            m = jnp.maximum(m, plsc.load_gather(tab_v, [row + (WORLD * OPTS + j)]))
        part_v[...] = m

        @plsc.parallel_loop(0, CHUNK, NACC * L, unroll=4,
                            carry=tuple(jnp.zeros((L,), jnp.float32)
                                        for _ in range(NACC)))
        def accs(base_off, accs):
            accs = list(accs)
            for u in range(NACC):
                off = base_off + u * L
                s = i_v[pl.ds(off, L)]
                nx = i_v[pl.ds(CHUNK + off, L)]
                a = i_v[pl.ds(2 * CHUNK + off, L)]
                r = f_v[pl.ds(off, L)]
                d = f_v[pl.ds(CHUNK + off, L)]
                mn = plsc.load_gather(part_v, [nx])
                qsel = plsc.load_gather(tab_v, [s * OPTS + a])
                dif = qsel - (r + (1.0 - d) * GAMMA * mn)
                accs[u] = accs[u] + dif * dif
            return tuple(accs)

        acc = (accs[0] + accs[1]) + (accs[2] + accs[3])
        part_v[...] = acc
        pltpu.sync_copy(part_v, out_hbm.at[wid // 8, pl.ds((wid % 8) * L, L)])

    return k(tab, states, next_states, actions, rewards, dones)


def _tc_reduce(partials_2d):
    def body(p_ref, o_ref):
        o_ref[0, 0] = jnp.sum(p_ref[...]) * (1.0 / B)

    out = pl.pallas_call(
        body,
        out_shape=jax.ShapeDtypeStruct((1, 1), jnp.float32),
        out_specs=pl.BlockSpec(memory_space=pltpu.SMEM),
    )(partials_2d)
    return out[0, 0]


def kernel(qs, q_targets, states, next_states, actions, rewards, dones):
    tab = jnp.concatenate([qs.reshape(-1), q_targets.reshape(-1)])
    partials = _sc_partials(tab, states, next_states,
                            actions, rewards, dones)
    return _tc_reduce(partials)

# --- scband reference (transcript-rebuilt; emitter-appended) ---
"""Pipeline reference for scband-tabular-q-41592463294783 (READ-ONLY COPY).

The authoritative reference and input builder live on the scoring server;
editing this copy changes nothing except your own understanding.
"""

import jax, jax.numpy as jnp
import numpy as np

WORLD_SIZE = 5
NUM_OPTIONS = 6
B = 16384

def setup_inputs(seed: int = 0) -> dict:
    key = jax.random.key(seed)
    k_qs, k_qt, k_s, k_ns, k_a, k_r, k_d = jax.random.split(key, 7)
    qs = jax.random.uniform(k_qs, (WORLD_SIZE, NUM_OPTIONS), dtype=jnp.float32)
    q_targets = jax.random.uniform(k_qt, (WORLD_SIZE, NUM_OPTIONS), dtype=jnp.float32)
    states = jax.random.randint(k_s, (B,), 0, WORLD_SIZE, dtype=jnp.int64 if jax.config.read('jax_enable_x64') else jnp.int32).astype(jnp.int32)
    next_states = jax.random.randint(k_ns, (B,), 0, WORLD_SIZE).astype(jnp.int32)
    actions = jax.random.randint(k_a, (B,), 0, NUM_OPTIONS).astype(jnp.int32)
    rewards = jax.random.normal(k_r, (B,), dtype=jnp.float32)
    dones = jax.random.uniform(k_d, (B,), dtype=jnp.float32)
    return {"qs": qs, "q_targets": q_targets, "states": states, "next_states": next_states, "actions": actions, "rewards": rewards, "dones": dones}

def reference(qs, q_targets, states, next_states, actions, rewards, dones):
    # Faithful translation of the TD-loss core of TabularQ.update():
    #   max_next_qs, _ = q_targets[next_states].max(dim=1)   (no grad)
    #   targets = rewards + (1 - dones) * 0.99 * max_next_qs  (no grad)
    #   qs_sel = qs[states, actions]
    #   loss = ((qs_sel - targets) ** 2).mean()
    next_q_rows = jnp.take(q_targets, next_states, axis=0)   # gather [B, NUM_OPTIONS]
    max_next_qs = jnp.max(next_q_rows, axis=1)
    targets = jax.lax.stop_gradient(rewards + (1.0 - dones) * 0.99 * max_next_qs)
    q_sel = qs[states, actions]                               # gather [B]
    loss = jnp.mean((q_sel - targets) ** 2)
    return loss

if __name__ == "__main__":
    import jax
    _d = setup_inputs()
    print(jax.jit(kernel)(*tuple(_d.values())))

</pallas_src>

<mosaic_0001>
#map = affine_map<(d0, d1) -> (0)>
#map1 = affine_map<(d0, d1) -> (0, 0)>
module attributes {stable_mosaic.version = 14 : i64} {
  func.func @k(%arg0: i32, %arg1: i32, %arg2: memref<60xf32, #tpu.memory_space<hbm>>, %arg3: memref<16384xi32, #tpu.memory_space<hbm>>, %arg4: memref<16384xi32, #tpu.memory_space<hbm>>, %arg5: memref<16384xi32, #tpu.memory_space<hbm>>, %arg6: memref<16384xf32, #tpu.memory_space<hbm>>, %arg7: memref<16384xf32, #tpu.memory_space<hbm>>, %arg8: memref<4x128xf32, #tpu.memory_space<hbm>>, %arg9: memref<1536xi32, #tpu.memory_space<vmem>>, %arg10: memref<1024xf32, #tpu.memory_space<vmem>>, %arg11: memref<60xf32, #tpu.memory_space<vmem>>, %arg12: memref<16xf32, #tpu.memory_space<vmem>>, %arg13: memref<!tpu.dma_semaphore, #tpu.memory_space<semaphore_mem>>) attributes {dimension_semantics = [#tpu.dimension_semantics<core_parallel>, #tpu.dimension_semantics<subcore_parallel>], iteration_bounds = array<i64: 2, 16>, scalar_prefetch = 0 : i64, scratch_operands = 5 : i64, tpu.core_type = #tpu.core_type<sc_vector_subcore>, window_params = [{transform_indices = #map}, {transform_indices = #map}, {transform_indices = #map}, {transform_indices = #map}, {transform_indices = #map}, {transform_indices = #map}, {transform_indices = #map1}]} {
    %mul3A = arith.constant 2 : i32
    %mul3A_0 = arith.muli %arg1, %mul3A : i32
    %add3A = arith.addi %mul3A_0, %arg0 : i32
    %mul3A_1 = arith.constant 512 : i32
    %mul3A_2 = arith.muli %add3A, %mul3A_1 : i32
    tpu.enqueue_dma source(%arg2 : memref<60xf32, #tpu.memory_space<hbm>>) target(%arg11 : memref<60xf32, #tpu.memory_space<vmem>>) target_semaphore(%arg13 : memref<!tpu.dma_semaphore, #tpu.memory_space<semaphore_mem>>)
    %dma_start3A = arith.constant 0 : i32
    %dma_start3A_3 = tpu.memref_slice %arg9[%dma_start3A] : memref<1536xi32, #tpu.memory_space<vmem>> -> memref<512xi32, #tpu.memory_space<vmem>>
    %dma_start3A_4 = tpu.memref_slice %arg3[%mul3A_2] : memref<16384xi32, #tpu.memory_space<hbm>> -> memref<512xi32, #tpu.memory_space<hbm>>
    %dma_start3A_5 = arith.constant 0 : i32
    %dma_start3A_6 = tpu.memref_slice %arg9[%dma_start3A_5] : memref<1536xi32, #tpu.memory_space<vmem>> -> memref<512xi32, #tpu.memory_space<vmem>>
    %dma_start3A_7 = tpu.memref_slice %arg3[%mul3A_2] : memref<16384xi32, #tpu.memory_space<hbm>> -> memref<512xi32, #tpu.memory_space<hbm>>
    tpu.enqueue_dma source(%dma_start3A_7 : memref<512xi32, #tpu.memory_space<hbm>>) target(%dma_start3A_6 : memref<512xi32, #tpu.memory_space<vmem>>) target_semaphore(%arg13 : memref<!tpu.dma_semaphore, #tpu.memory_space<semaphore_mem>>)
    %dma_start3A_8 = arith.constant 512 : i32
    %dma_start3A_9 = tpu.memref_slice %arg9[%dma_start3A_8] : memref<1536xi32, #tpu.memory_space<vmem>> -> memref<512xi32, #tpu.memory_space<vmem>>
    %dma_start3A_10 = tpu.memref_slice %arg4[%mul3A_2] : memref<16384xi32, #tpu.memory_space<hbm>> -> memref<512xi32, #tpu.memory_space<hbm>>
    %dma_start3A_11 = arith.constant 512 : i32
    %dma_start3A_12 = tpu.memref_slice %arg9[%dma_start3A_11] : memref<1536xi32, #tpu.memory_space<vmem>> -> memref<512xi32, #tpu.memory_space<vmem>>
    %dma_start3A_13 = tpu.memref_slice %arg4[%mul3A_2] : memref<16384xi32, #tpu.memory_space<hbm>> -> memref<512xi32, #tpu.memory_space<hbm>>
    tpu.enqueue_dma source(%dma_start3A_13 : memref<512xi32, #tpu.memory_space<hbm>>) target(%dma_start3A_12 : memref<512xi32, #tpu.memory_space<vmem>>) target_semaphore(%arg13 : memref<!tpu.dma_semaphore, #tpu.memory_space<semaphore_mem>>)
    %dma_start3A_14 = arith.constant 1024 : i32
    %dma_start3A_15 = tpu.memref_slice %arg9[%dma_start3A_14] : memref<1536xi32, #tpu.memory_space<vmem>> -> memref<512xi32, #tpu.memory_space<vmem>>
    %dma_start3A_16 = tpu.memref_slice %arg5[%mul3A_2] : memref<16384xi32, #tpu.memory_space<hbm>> -> memref<512xi32, #tpu.memory_space<hbm>>
    %dma_start3A_17 = arith.constant 1024 : i32
    %dma_start3A_18 = tpu.memref_slice %arg9[%dma_start3A_17] : memref<1536xi32, #tpu.memory_space<vmem>> -> memref<512xi32, #tpu.memory_space<vmem>>
    %dma_start3A_19 = tpu.memref_slice %arg5[%mul3A_2] : memref<16384xi32, #tpu.memory_space<hbm>> -> memref<512xi32, #tpu.memory_space<hbm>>
    tpu.enqueue_dma source(%dma_start3A_19 : memref<512xi32, #tpu.memory_space<hbm>>) target(%dma_start3A_18 : memref<512xi32, #tpu.memory_space<vmem>>) target_semaphore(%arg13 : memref<!tpu.dma_semaphore, #tpu.memory_space<semaphore_mem>>)
    %dma_start3A_20 = arith.constant 0 : i32
    %dma_start3A_21 = tpu.memref_slice %arg10[%dma_start3A_20] : memref<1024xf32, #tpu.memory_space<vmem>> -> memref<512xf32, #tpu.memory_space<vmem>>
    %dma_start3A_22 = tpu.memref_slice %arg6[%mul3A_2] : memref<16384xf32, #tpu.memory_space<hbm>> -> memref<512xf32, #tpu.memory_space<hbm>>
    %dma_start3A_23 = arith.constant 0 : i32
    %dma_start3A_24 = tpu.memref_slice %arg10[%dma_start3A_23] : memref<1024xf32, #tpu.memory_space<vmem>> -> memref<512xf32, #tpu.memory_space<vmem>>
    %dma_start3A_25 = tpu.memref_slice %arg6[%mul3A_2] : memref<16384xf32, #tpu.memory_space<hbm>> -> memref<512xf32, #tpu.memory_space<hbm>>
    tpu.enqueue_dma source(%dma_start3A_25 : memref<512xf32, #tpu.memory_space<hbm>>) target(%dma_start3A_24 : memref<512xf32, #tpu.memory_space<vmem>>) target_semaphore(%arg13 : memref<!tpu.dma_semaphore, #tpu.memory_space<semaphore_mem>>)
    %dma_start3A_26 = arith.constant 512 : i32
    %dma_start3A_27 = tpu.memref_slice %arg10[%dma_start3A_26] : memref<1024xf32, #tpu.memory_space<vmem>> -> memref<512xf32, #tpu.memory_space<vmem>>
    %dma_start3A_28 = tpu.memref_slice %arg7[%mul3A_2] : memref<16384xf32, #tpu.memory_space<hbm>> -> memref<512xf32, #tpu.memory_space<hbm>>
    %dma_start3A_29 = arith.constant 512 : i32
    %dma_start3A_30 = tpu.memref_slice %arg10[%dma_start3A_29] : memref<1024xf32, #tpu.memory_space<vmem>> -> memref<512xf32, #tpu.memory_space<vmem>>
    %dma_start3A_31 = tpu.memref_slice %arg7[%mul3A_2] : memref<16384xf32, #tpu.memory_space<hbm>> -> memref<512xf32, #tpu.memory_space<hbm>>
    tpu.enqueue_dma source(%dma_start3A_31 : memref<512xf32, #tpu.memory_space<hbm>>) target(%dma_start3A_30 : memref<512xf32, #tpu.memory_space<vmem>>) target_semaphore(%arg13 : memref<!tpu.dma_semaphore, #tpu.memory_space<semaphore_mem>>)
    tpu.wait_dma2 semaphore(%arg13 : memref<!tpu.dma_semaphore, #tpu.memory_space<semaphore_mem>>) src(%arg2 : memref<60xf32, #tpu.memory_space<hbm>>) dst(%arg11 : memref<60xf32, #tpu.memory_space<vmem>>)
    %dma_wait3A = arith.constant 0 : i32
    %dma_wait3A_32 = tpu.memref_slice %arg9[%dma_wait3A] : memref<1536xi32, #tpu.memory_space<vmem>> -> memref<512xi32, #tpu.memory_space<vmem>>
    %dma_wait3A_33 = tpu.memref_slice %arg3[%mul3A_2] : memref<16384xi32, #tpu.memory_space<hbm>> -> memref<512xi32, #tpu.memory_space<hbm>>
    %dma_wait3A_34 = arith.constant 0 : i32
    %dma_wait3A_35 = tpu.memref_slice %arg9[%dma_wait3A_34] : memref<1536xi32, #tpu.memory_space<vmem>> -> memref<512xi32, #tpu.memory_space<vmem>>
    %dma_wait3A_36 = tpu.memref_slice %arg3[%mul3A_2] : memref<16384xi32, #tpu.memory_space<hbm>> -> memref<512xi32, #tpu.memory_space<hbm>>
    tpu.wait_dma2 semaphore(%arg13 : memref<!tpu.dma_semaphore, #tpu.memory_space<semaphore_mem>>) src(%dma_wait3A_36 : memref<512xi32, #tpu.memory_space<hbm>>) dst(%dma_wait3A_35 : memref<512xi32, #tpu.memory_space<vmem>>)
    %dma_wait3A_37 = arith.constant 512 : i32
    %dma_wait3A_38 = tpu.memref_slice %arg9[%dma_wait3A_37] : memref<1536xi32, #tpu.memory_space<vmem>> -> memref<512xi32, #tpu.memory_space<vmem>>
    %dma_wait3A_39 = tpu.memref_slice %arg4[%mul3A_2] : memref<16384xi32, #tpu.memory_space<hbm>> -> memref<512xi32, #tpu.memory_space<hbm>>
    %dma_wait3A_40 = arith.constant 512 : i32
    %dma_wait3A_41 = tpu.memref_slice %arg9[%dma_wait3A_40] : memref<1536xi32, #tpu.memory_space<vmem>> -> memref<512xi32, #tpu.memory_space<vmem>>
    %dma_wait3A_42 = tpu.memref_slice %arg4[%mul3A_2] : memref<16384xi32, #tpu.memory_space<hbm>> -> memref<512xi32, #tpu.memory_space<hbm>>
    tpu.wait_dma2 semaphore(%arg13 : memref<!tpu.dma_semaphore, #tpu.memory_space<semaphore_mem>>) src(%dma_wait3A_42 : memref<512xi32, #tpu.memory_space<hbm>>) dst(%dma_wait3A_41 : memref<512xi32, #tpu.memory_space<vmem>>)
    %dma_wait3A_43 = arith.constant 1024 : i32
    %dma_wait3A_44 = tpu.memref_slice %arg9[%dma_wait3A_43] : memref<1536xi32, #tpu.memory_space<vmem>> -> memref<512xi32, #tpu.memory_space<vmem>>
    %dma_wait3A_45 = tpu.memref_slice %arg5[%mul3A_2] : memref<16384xi32, #tpu.memory_space<hbm>> -> memref<512xi32, #tpu.memory_space<hbm>>
    %dma_wait3A_46 = arith.constant 1024 : i32
    %dma_wait3A_47 = tpu.memref_slice %arg9[%dma_wait3A_46] : memref<1536xi32, #tpu.memory_space<vmem>> -> memref<512xi32, #tpu.memory_space<vmem>>
    %dma_wait3A_48 = tpu.memref_slice %arg5[%mul3A_2] : memref<16384xi32, #tpu.memory_space<hbm>> -> memref<512xi32, #tpu.memory_space<hbm>>
    tpu.wait_dma2 semaphore(%arg13 : memref<!tpu.dma_semaphore, #tpu.memory_space<semaphore_mem>>) src(%dma_wait3A_48 : memref<512xi32, #tpu.memory_space<hbm>>) dst(%dma_wait3A_47 : memref<512xi32, #tpu.memory_space<vmem>>)
    %dma_wait3A_49 = arith.constant 0 : i32
    %dma_wait3A_50 = tpu.memref_slice %arg10[%dma_wait3A_49] : memref<1024xf32, #tpu.memory_space<vmem>> -> memref<512xf32, #tpu.memory_space<vmem>>
    %dma_wait3A_51 = tpu.memref_slice %arg6[%mul3A_2] : memref<16384xf32, #tpu.memory_space<hbm>> -> memref<512xf32, #tpu.memory_space<hbm>>
    %dma_wait3A_52 = arith.constant 0 : i32
    %dma_wait3A_53 = tpu.memref_slice %arg10[%dma_wait3A_52] : memref<1024xf32, #tpu.memory_space<vmem>> -> memref<512xf32, #tpu.memory_space<vmem>>
    %dma_wait3A_54 = tpu.memref_slice %arg6[%mul3A_2] : memref<16384xf32, #tpu.memory_space<hbm>> -> memref<512xf32, #tpu.memory_space<hbm>>
    tpu.wait_dma2 semaphore(%arg13 : memref<!tpu.dma_semaphore, #tpu.memory_space<semaphore_mem>>) src(%dma_wait3A_54 : memref<512xf32, #tpu.memory_space<hbm>>) dst(%dma_wait3A_53 : memref<512xf32, #tpu.memory_space<vmem>>)
    %dma_wait3A_55 = arith.constant 512 : i32
    %dma_wait3A_56 = tpu.memref_slice %arg10[%dma_wait3A_55] : memref<1024xf32, #tpu.memory_space<vmem>> -> memref<512xf32, #tpu.memory_space<vmem>>
    %dma_wait3A_57 = tpu.memref_slice %arg7[%mul3A_2] : memref<16384xf32, #tpu.memory_space<hbm>> -> memref<512xf32, #tpu.memory_space<hbm>>
    %dma_wait3A_58 = arith.constant 512 : i32
    %dma_wait3A_59 = tpu.memref_slice %arg10[%dma_wait3A_58] : memref<1024xf32, #tpu.memory_space<vmem>> -> memref<512xf32, #tpu.memory_space<vmem>>
    %dma_wait3A_60 = tpu.memref_slice %arg7[%mul3A_2] : memref<16384xf32, #tpu.memory_space<hbm>> -> memref<512xf32, #tpu.memory_space<hbm>>
    tpu.wait_dma2 semaphore(%arg13 : memref<!tpu.dma_semaphore, #tpu.memory_space<semaphore_mem>>) src(%dma_wait3A_60 : memref<512xf32, #tpu.memory_space<hbm>>) dst(%dma_wait3A_59 : memref<512xf32, #tpu.memory_space<vmem>>)
    %iota3A = tpu.iota {dimensions = array<i32: 0>} : vector<16xi32>
    %min3A = arith.constant 4 : i32
    %min3A_61 = vector.broadcast %min3A : i32 to vector<16xi32>
    %min3A_62 = arith.minsi %iota3A, %min3A_61 : vector<16xi32>
    %mul3A_63 = arith.constant 6 : i32
    %mul3A_64 = vector.broadcast %mul3A_63 : i32 to vector<16xi32>
    %mul3A_65 = arith.muli %min3A_62, %mul3A_64 : vector<16xi32>
    %add3A_66 = arith.constant 30 : i32
    %add3A_67 = vector.broadcast %add3A_66 : i32 to vector<16xi32>
    %add3A_68 = arith.addi %mul3A_65, %add3A_67 : vector<16xi32>
    %gather3A = tpu.vector_load_idx %arg11[%add3A_68] : memref<60xf32, #tpu.memory_space<vmem>>[vector<16xi32>], vector<16xf32>,
    %add3A_69 = arith.constant 31 : i32
    %add3A_70 = vector.broadcast %add3A_69 : i32 to vector<16xi32>
    %add3A_71 = arith.addi %mul3A_65, %add3A_70 : vector<16xi32>
    %gather3A_72 = tpu.vector_load_idx %arg11[%add3A_71] : memref<60xf32, #tpu.memory_space<vmem>>[vector<16xi32>], vector<16xf32>,
    %max3A = arith.maximumf %gather3A, %gather3A_72 : vector<16xf32>
    %add3A_73 = arith.constant 32 : i32
    %add3A_74 = vector.broadcast %add3A_73 : i32 to vector<16xi32>
    %add3A_75 = arith.addi %mul3A_65, %add3A_74 : vector<16xi32>
    %gather3A_76 = tpu.vector_load_idx %arg11[%add3A_75] : memref<60xf32, #tpu.memory_space<vmem>>[vector<16xi32>], vector<16xf32>,
    %max3A_77 = arith.maximumf %max3A, %gather3A_76 : vector<16xf32>
    %add3A_78 = arith.constant 33 : i32
    %add3A_79 = vector.broadcast %add3A_78 : i32 to vector<16xi32>
    %add3A_80 = arith.addi %mul3A_65, %add3A_79 : vector<16xi32>
    %gather3A_81 = tpu.vector_load_idx %arg11[%add3A_80] : memref<60xf32, #tpu.memory_space<vmem>>[vector<16xi32>], vector<16xf32>,
    %max3A_82 = arith.maximumf %max3A_77, %gather3A_81 : vector<16xf32>
    %add3A_83 = arith.constant 34 : i32
    %add3A_84 = vector.broadcast %add3A_83 : i32 to vector<16xi32>
    %add3A_85 = arith.addi %mul3A_65, %add3A_84 : vector<16xi32>
    %gather3A_86 = tpu.vector_load_idx %arg11[%add3A_85] : memref<60xf32, #tpu.memory_space<vmem>>[vector<16xi32>], vector<16xf32>,
    %max3A_87 = arith.maximumf %max3A_82, %gather3A_86 : vector<16xf32>
    %add3A_88 = arith.constant 35 : i32
    %add3A_89 = vector.broadcast %add3A_88 : i32 to vector<16xi32>
    %add3A_90 = arith.addi %mul3A_65, %add3A_89 : vector<16xi32>
    %gather3A_91 = tpu.vector_load_idx %arg11[%add3A_90] : memref<60xf32, #tpu.memory_space<vmem>>[vector<16xi32>], vector<16xf32>,
    %max3A_92 = arith.maximumf %max3A_87, %gather3A_91 : vector<16xf32>
    %swap3A = arith.constant 0 : index
    %swap3A_93 = tpu.vector_load %arg12[%swap3A] {strides = array<i32>} : memref<16xf32, #tpu.memory_space<vmem>>, vector<16xf32>,
    tpu.vector_store %arg12[%swap3A], %max3A_92 {strides = array<i32>} : memref<16xf32, #tpu.memory_space<vmem>>, vector<16xf32>,
    %broadcast_in_dim3A = arith.constant 0.000000e+00 : f32
    %broadcast_in_dim3A_94 = vector.broadcast %broadcast_in_dim3A : f32 to vector<16xf32>
    %broadcast_in_dim3A_95 = arith.constant 0.000000e+00 : f32
    %broadcast_in_dim3A_96 = vector.broadcast %broadcast_in_dim3A_95 : f32 to vector<16xf32>
    %broadcast_in_dim3A_97 = arith.constant 0.000000e+00 : f32
    %broadcast_in_dim3A_98 = vector.broadcast %broadcast_in_dim3A_97 : f32 to vector<16xf32>
    %broadcast_in_dim3A_99 = arith.constant 0.000000e+00 : f32
    %broadcast_in_dim3A_100 = vector.broadcast %broadcast_in_dim3A_99 : f32 to vector<16xf32>
    %parallel_loop3A = arith.constant 0 : i32
    %parallel_loop3A_101 = arith.constant 512 : i32
    %parallel_loop3A_102 = arith.constant 64 : i32
    %parallel_loop3A_103:4 = scf.for %parallel_loop3A_141 = %parallel_loop3A to %parallel_loop3A_101 step %parallel_loop3A_102 iter_args(%parallel_loop3A_142 = %broadcast_in_dim3A_94, %parallel_loop3A_143 = %broadcast_in_dim3A_96, %parallel_loop3A_144 = %broadcast_in_dim3A_98, %parallel_loop3A_145 = %broadcast_in_dim3A_100) -> (vector<16xf32>, vector<16xf32>, vector<16xf32>, vector<16xf32>)  : i32 {
      %parallel_loop3A_146 = arith.constant 0 : i32
      %parallel_loop3A_147 = arith.addi %parallel_loop3A_141, %parallel_loop3A_146 : i32
      %parallel_loop3A_148 = arith.index_cast %parallel_loop3A_147 : i32 to index
      %parallel_loop3A_149 = tpu.vector_load %arg9[%parallel_loop3A_148] {strides = array<i32>} : memref<1536xi32, #tpu.memory_space<vmem>>, vector<16xi32>,
      %parallel_loop3A_150 = arith.constant 512 : i32
      %parallel_loop3A_151 = arith.addi %parallel_loop3A_150, %parallel_loop3A_147 : i32
      %parallel_loop3A_152 = arith.index_cast %parallel_loop3A_151 : i32 to index
      %parallel_loop3A_153 = tpu.vector_load %arg9[%parallel_loop3A_152] {strides = array<i32>} : memref<1536xi32, #tpu.memory_space<vmem>>, vector<16xi32>,
      %parallel_loop3A_154 = arith.constant 1024 : i32
      %parallel_loop3A_155 = arith.addi %parallel_loop3A_154, %parallel_loop3A_147 : i32
      %parallel_loop3A_156 = arith.index_cast %parallel_loop3A_155 : i32 to index
      %parallel_loop3A_157 = tpu.vector_load %arg9[%parallel_loop3A_156] {strides = array<i32>} : memref<1536xi32, #tpu.memory_space<vmem>>, vector<16xi32>,
      %parallel_loop3A_158 = arith.index_cast %parallel_loop3A_147 : i32 to index
      %parallel_loop3A_159 = tpu.vector_load %arg10[%parallel_loop3A_158] {strides = array<i32>} : memref<1024xf32, #tpu.memory_space<vmem>>, vector<16xf32>,
      %parallel_loop3A_160 = arith.constant 512 : i32
      %parallel_loop3A_161 = arith.addi %parallel_loop3A_160, %parallel_loop3A_147 : i32
      %parallel_loop3A_162 = arith.index_cast %parallel_loop3A_161 : i32 to index
      %parallel_loop3A_163 = tpu.vector_load %arg10[%parallel_loop3A_162] {strides = array<i32>} : memref<1024xf32, #tpu.memory_space<vmem>>, vector<16xf32>,
      %parallel_loop3A_164 = tpu.vector_load_idx %arg12[%parallel_loop3A_153] : memref<16xf32, #tpu.memory_space<vmem>>[vector<16xi32>], vector<16xf32>,
      %parallel_loop3A_165 = arith.constant 6 : i32
      %parallel_loop3A_166 = vector.broadcast %parallel_loop3A_165 : i32 to vector<16xi32>
      %parallel_loop3A_167 = arith.muli %parallel_loop3A_149, %parallel_loop3A_166 : vector<16xi32>
      %parallel_loop3A_168 = arith.addi %parallel_loop3A_167, %parallel_loop3A_157 : vector<16xi32>
      %parallel_loop3A_169 = tpu.vector_load_idx %arg11[%parallel_loop3A_168] : memref<60xf32, #tpu.memory_space<vmem>>[vector<16xi32>], vector<16xf32>,
      %parallel_loop3A_170 = arith.constant 1.000000e+00 : f32
      %parallel_loop3A_171 = vector.broadcast %parallel_loop3A_170 : f32 to vector<16xf32>
      %parallel_loop3A_172 = arith.subf %parallel_loop3A_171, %parallel_loop3A_163 : vector<16xf32>
      %parallel_loop3A_173 = arith.constant 9.900000e-01 : f32
      %parallel_loop3A_174 = vector.broadcast %parallel_loop3A_173 : f32 to vector<16xf32>
      %parallel_loop3A_175 = arith.mulf %parallel_loop3A_172, %parallel_loop3A_174 : vector<16xf32>
      %parallel_loop3A_176 = arith.mulf %parallel_loop3A_175, %parallel_loop3A_164 : vector<16xf32>
      %parallel_loop3A_177 = arith.addf %parallel_loop3A_159, %parallel_loop3A_176 : vector<16xf32>
      %parallel_loop3A_178 = arith.subf %parallel_loop3A_169, %parallel_loop3A_177 : vector<16xf32>
      %parallel_loop3A_179 = arith.mulf %parallel_loop3A_178, %parallel_loop3A_178 : vector<16xf32>
      %parallel_loop3A_180 = arith.addf %parallel_loop3A_142, %parallel_loop3A_179 : vector<16xf32>
      %parallel_loop3A_181 = arith.constant 16 : i32
      %parallel_loop3A_182 = arith.addi %parallel_loop3A_141, %parallel_loop3A_181 : i32
      %parallel_loop3A_183 = arith.index_cast %parallel_loop3A_182 : i32 to index
      %parallel_loop3A_184 = tpu.vector_load %arg9[%parallel_loop3A_183] {strides = array<i32>} : memref<1536xi32, #tpu.memory_space<vmem>>, vector<16xi32>,
      %parallel_loop3A_185 = arith.constant 512 : i32
      %parallel_loop3A_186 = arith.addi %parallel_loop3A_185, %parallel_loop3A_182 : i32
      %parallel_loop3A_187 = arith.index_cast %parallel_loop3A_186 : i32 to index
      %parallel_loop3A_188 = tpu.vector_load %arg9[%parallel_loop3A_187] {strides = array<i32>} : memref<1536xi32, #tpu.memory_space<vmem>>, vector<16xi32>,
      %parallel_loop3A_189 = arith.constant 1024 : i32
      %parallel_loop3A_190 = arith.addi %parallel_loop3A_189, %parallel_loop3A_182 : i32
      %parallel_loop3A_191 = arith.index_cast %parallel_loop3A_190 : i32 to index
      %parallel_loop3A_192 = tpu.vector_load %arg9[%parallel_loop3A_191] {strides = array<i32>} : memref<1536xi32, #tpu.memory_space<vmem>>, vector<16xi32>,
      %parallel_loop3A_193 = arith.index_cast %parallel_loop3A_182 : i32 to index
      %parallel_loop3A_194 = tpu.vector_load %arg10[%parallel_loop3A_193] {strides = array<i32>} : memref<1024xf32, #tpu.memory_space<vmem>>, vector<16xf32>,
      %parallel_loop3A_195 = arith.constant 512 : i32
      %parallel_loop3A_196 = arith.addi %parallel_loop3A_195, %parallel_loop3A_182 : i32
      %parallel_loop3A_197 = arith.index_cast %parallel_loop3A_196 : i32 to index
      %parallel_loop3A_198 = tpu.vector_load %arg10[%parallel_loop3A_197] {strides = array<i32>} : memref<1024xf32, #tpu.memory_space<vmem>>, vector<16xf32>,
      %parallel_loop3A_199 = tpu.vector_load_idx %arg12[%parallel_loop3A_188] : memref<16xf32, #tpu.memory_space<vmem>>[vector<16xi32>], vector<16xf32>,
      %parallel_loop3A_200 = arith.constant 6 : i32
      %parallel_loop3A_201 = vector.broadcast %parallel_loop3A_200 : i32 to vector<16xi32>
      %parallel_loop3A_202 = arith.muli %parallel_loop3A_184, %parallel_loop3A_201 : vector<16xi32>
      %parallel_loop3A_203 = arith.addi %parallel_loop3A_202, %parallel_loop3A_192 : vector<16xi32>
      %parallel_loop3A_204 = tpu.vector_load_idx %arg11[%parallel_loop3A_203] : memref<60xf32, #tpu.memory_space<vmem>>[vector<16xi32>], vector<16xf32>,
      %parallel_loop3A_205 = arith.constant 1.000000e+00 : f32
      %parallel_loop3A_206 = vector.broadcast %parallel_loop3A_205 : f32 to vector<16xf32>
      %parallel_loop3A_207 = arith.subf %parallel_loop3A_206, %parallel_loop3A_198 : vector<16xf32>
      %parallel_loop3A_208 = arith.constant 9.900000e-01 : f32
      %parallel_loop3A_209 = vector.broadcast %parallel_loop3A_208 : f32 to vector<16xf32>
      %parallel_loop3A_210 = arith.mulf %parallel_loop3A_207, %parallel_loop3A_209 : vector<16xf32>
      %parallel_loop3A_211 = arith.mulf %parallel_loop3A_210, %parallel_loop3A_199 : vector<16xf32>
      %parallel_loop3A_212 = arith.addf %parallel_loop3A_194, %parallel_loop3A_211 : vector<16xf32>
      %parallel_loop3A_213 = arith.subf %parallel_loop3A_204, %parallel_loop3A_212 : vector<16xf32>
      %parallel_loop3A_214 = arith.mulf %parallel_loop3A_213, %parallel_loop3A_213 : vector<16xf32>
      %parallel_loop3A_215 = arith.addf %parallel_loop3A_143, %parallel_loop3A_214 : vector<16xf32>
      %parallel_loop3A_216 = arith.constant 32 : i32
      %parallel_loop3A_217 = arith.addi %parallel_loop3A_141, %parallel_loop3A_216 : i32
      %parallel_loop3A_218 = arith.index_cast %parallel_loop3A_217 : i32 to index
      %parallel_loop3A_219 = tpu.vector_load %arg9[%parallel_loop3A_218] {strides = array<i32>} : memref<1536xi32, #tpu.memory_space<vmem>>, vector<16xi32>,
      %parallel_loop3A_220 = arith.constant 512 : i32
      %parallel_loop3A_221 = arith.addi %parallel_loop3A_220, %parallel_loop3A_217 : i32
      %parallel_loop3A_222 = arith.index_cast %parallel_loop3A_221 : i32 to index
      %parallel_loop3A_223 = tpu.vector_load %arg9[%parallel_loop3A_222] {strides = array<i32>} : memref<1536xi32, #tpu.memory_space<vmem>>, vector<16xi32>,
      %parallel_loop3A_224 = arith.constant 1024 : i32
      %parallel_loop3A_225 = arith.addi %parallel_loop3A_224, %parallel_loop3A_217 : i32
      %parallel_loop3A_226 = arith.index_cast %parallel_loop3A_225 : i32 to index
      %parallel_loop3A_227 = tpu.vector_load %arg9[%parallel_loop3A_226] {strides = array<i32>} : memref<1536xi32, #tpu.memory_space<vmem>>, vector<16xi32>,
      %parallel_loop3A_228 = arith.index_cast %parallel_loop3A_217 : i32 to index
      %parallel_loop3A_229 = tpu.vector_load %arg10[%parallel_loop3A_228] {strides = array<i32>} : memref<1024xf32, #tpu.memory_space<vmem>>, vector<16xf32>,
      %parallel_loop3A_230 = arith.constant 512 : i32
      %parallel_loop3A_231 = arith.addi %parallel_loop3A_230, %parallel_loop3A_217 : i32
      %parallel_loop3A_232 = arith.index_cast %parallel_loop3A_231 : i32 to index
      %parallel_loop3A_233 = tpu.vector_load %arg10[%parallel_loop3A_232] {strides = array<i32>} : memref<1024xf32, #tpu.memory_space<vmem>>, vector<16xf32>,
      %parallel_loop3A_234 = tpu.vector_load_idx %arg12[%parallel_loop3A_223] : memref<16xf32, #tpu.memory_space<vmem>>[vector<16xi32>], vector<16xf32>,
      %parallel_loop3A_235 = arith.constant 6 : i32
      %parallel_loop3A_236 = vector.broadcast %parallel_loop3A_235 : i32 to vector<16xi32>
      %parallel_loop3A_237 = arith.muli %parallel_loop3A_219, %parallel_loop3A_236 : vector<16xi32>
      %parallel_loop3A_238 = arith.addi %parallel_loop3A_237, %parallel_loop3A_227 : vector<16xi32>
      %parallel_loop3A_239 = tpu.vector_load_idx %arg11[%parallel_loop3A_238] : memref<60xf32, #tpu.memory_space<vmem>>[vector<16xi32>], vector<16xf32>,
      %parallel_loop3A_240 = arith.constant 1.000000e+00 : f32
      %parallel_loop3A_241 = vector.broadcast %parallel_loop3A_240 : f32 to vector<16xf32>
      %parallel_loop3A_242 = arith.subf %parallel_loop3A_241, %parallel_loop3A_233 : vector<16xf32>
      %parallel_loop3A_243 = arith.constant 9.900000e-01 : f32
      %parallel_loop3A_244 = vector.broadcast %parallel_loop3A_243 : f32 to vector<16xf32>
      %parallel_loop3A_245 = arith.mulf %parallel_loop3A_242, %parallel_loop3A_244 : vector<16xf32>
      %parallel_loop3A_246 = arith.mulf %parallel_loop3A_245, %parallel_loop3A_234 : vector<16xf32>
      %parallel_loop3A_247 = arith.addf %parallel_loop3A_229, %parallel_loop3A_246 : vector<16xf32>
      %parallel_loop3A_248 = arith.subf %parallel_loop3A_239, %parallel_loop3A_247 : vector<16xf32>
      %parallel_loop3A_249 = arith.mulf %parallel_loop3A_248, %parallel_loop3A_248 : vector<16xf32>
      %parallel_loop3A_250 = arith.addf %parallel_loop3A_144, %parallel_loop3A_249 : vector<16xf32>
      %parallel_loop3A_251 = arith.constant 48 : i32
      %parallel_loop3A_252 = arith.addi %parallel_loop3A_141, %parallel_loop3A_251 : i32
      %parallel_loop3A_253 = arith.index_cast %parallel_loop3A_252 : i32 to index
      %parallel_loop3A_254 = tpu.vector_load %arg9[%parallel_loop3A_253] {strides = array<i32>} : memref<1536xi32, #tpu.memory_space<vmem>>, vector<16xi32>,
      %parallel_loop3A_255 = arith.constant 512 : i32
      %parallel_loop3A_256 = arith.addi %parallel_loop3A_255, %parallel_loop3A_252 : i32
      %parallel_loop3A_257 = arith.index_cast %parallel_loop3A_256 : i32 to index
      %parallel_loop3A_258 = tpu.vector_load %arg9[%parallel_loop3A_257] {strides = array<i32>} : memref<1536xi32, #tpu.memory_space<vmem>>, vector<16xi32>,
      %parallel_loop3A_259 = arith.constant 1024 : i32
      %parallel_loop3A_260 = arith.addi %parallel_loop3A_259, %parallel_loop3A_252 : i32
      %parallel_loop3A_261 = arith.index_cast %parallel_loop3A_260 : i32 to index
      %parallel_loop3A_262 = tpu.vector_load %arg9[%parallel_loop3A_261] {strides = array<i32>} : memref<1536xi32, #tpu.memory_space<vmem>>, vector<16xi32>,
      %parallel_loop3A_263 = arith.index_cast %parallel_loop3A_252 : i32 to index
      %parallel_loop3A_264 = tpu.vector_load %arg10[%parallel_loop3A_263] {strides = array<i32>} : memref<1024xf32, #tpu.memory_space<vmem>>, vector<16xf32>,
      %parallel_loop3A_265 = arith.constant 512 : i32
      %parallel_loop3A_266 = arith.addi %parallel_loop3A_265, %parallel_loop3A_252 : i32
      %parallel_loop3A_267 = arith.index_cast %parallel_loop3A_266 : i32 to index
      %parallel_loop3A_268 = tpu.vector_load %arg10[%parallel_loop3A_267] {strides = array<i32>} : memref<1024xf32, #tpu.memory_space<vmem>>, vector<16xf32>,
      %parallel_loop3A_269 = tpu.vector_load_idx %arg12[%parallel_loop3A_258] : memref<16xf32, #tpu.memory_space<vmem>>[vector<16xi32>], vector<16xf32>,
      %parallel_loop3A_270 = arith.constant 6 : i32
      %parallel_loop3A_271 = vector.broadcast %parallel_loop3A_270 : i32 to vector<16xi32>
      %parallel_loop3A_272 = arith.muli %parallel_loop3A_254, %parallel_loop3A_271 : vector<16xi32>
      %parallel_loop3A_273 = arith.addi %parallel_loop3A_272, %parallel_loop3A_262 : vector<16xi32>
      %parallel_loop3A_274 = tpu.vector_load_idx %arg11[%parallel_loop3A_273] : memref<60xf32, #tpu.memory_space<vmem>>[vector<16xi32>], vector<16xf32>,
      %parallel_loop3A_275 = arith.constant 1.000000e+00 : f32
      %parallel_loop3A_276 = vector.broadcast %parallel_loop3A_275 : f32 to vector<16xf32>
      %parallel_loop3A_277 = arith.subf %parallel_loop3A_276, %parallel_loop3A_268 : vector<16xf32>
      %parallel_loop3A_278 = arith.constant 9.900000e-01 : f32
      %parallel_loop3A_279 = vector.broadcast %parallel_loop3A_278 : f32 to vector<16xf32>
      %parallel_loop3A_280 = arith.mulf %parallel_loop3A_277, %parallel_loop3A_279 : vector<16xf32>
      %parallel_loop3A_281 = arith.mulf %parallel_loop3A_280, %parallel_loop3A_269 : vector<16xf32>
      %parallel_loop3A_282 = arith.addf %parallel_loop3A_264, %parallel_loop3A_281 : vector<16xf32>
      %parallel_loop3A_283 = arith.subf %parallel_loop3A_274, %parallel_loop3A_282 : vector<16xf32>
      %parallel_loop3A_284 = arith.mulf %parallel_loop3A_283, %parallel_loop3A_283 : vector<16xf32>
      %parallel_loop3A_285 = arith.addf %parallel_loop3A_145, %parallel_loop3A_284 : vector<16xf32>
      scf.yield %parallel_loop3A_180, %parallel_loop3A_215, %parallel_loop3A_250, %parallel_loop3A_285 : vector<16xf32>, vector<16xf32>, vector<16xf32>, vector<16xf32>
    } {sc.loop_unroll_factor = 4 : i64, sc.parallel_access}
    %add3A_104 = arith.addf %parallel_loop3A_103#0, %parallel_loop3A_103#1 : vector<16xf32>
    %add3A_105 = arith.addf %parallel_loop3A_103#2, %parallel_loop3A_103#3 : vector<16xf32>
    %add3A_106 = arith.addf %add3A_104, %add3A_105 : vector<16xf32>
    %swap3A_107 = arith.constant 0 : index
    %swap3A_108 = tpu.vector_load %arg12[%swap3A_107] {strides = array<i32>} : memref<16xf32, #tpu.memory_space<vmem>>, vector<16xf32>,
    tpu.vector_store %arg12[%swap3A_107], %add3A_106 {strides = array<i32>} : memref<16xf32, #tpu.memory_space<vmem>>, vector<16xf32>,
    %jit3A = arith.constant 8 : i32
    %div3A = arith.divsi %add3A, %jit3A : i32
    %sign3A = arith.constant 0 : i32
    %sign3A_109 = arith.cmpi sgt, %add3A, %sign3A : i32
    %sign3A_110 = arith.extui %sign3A_109 : i1 to i32
    %sign3A_111 = arith.constant 0 : i32
    %sign3A_112 = arith.cmpi slt, %add3A, %sign3A_111 : i32
    %sign3A_113 = arith.extui %sign3A_112 : i1 to i32
    %sign3A_114 = arith.subi %sign3A_110, %sign3A_113 : i32
    %sign3A_115 = arith.constant 0 : i32
    %sign3A_116 = arith.cmpi sgt, %jit3A, %sign3A_115 : i32
    %sign3A_117 = arith.extui %sign3A_116 : i1 to i32
    %sign3A_118 = arith.constant 0 : i32
    %sign3A_119 = arith.cmpi slt, %jit3A, %sign3A_118 : i32
    %sign3A_120 = arith.extui %sign3A_119 : i1 to i32
    %sign3A_121 = arith.subi %sign3A_117, %sign3A_120 : i32
    %ne3A = arith.cmpi ne, %sign3A_114, %sign3A_121 : i32
    %rem3A = arith.remsi %add3A, %jit3A : i32
    %ne3A_122 = arith.constant 0 : i32
    %ne3A_123 = arith.cmpi ne, %rem3A, %ne3A_122 : i32
    %and3A = arith.andi %ne3A, %ne3A_123 : i1
    %sub3A = arith.constant 1 : i32
    %sub3A_124 = arith.subi %div3A, %sub3A : i32
    %select_n3A = arith.select %and3A, %sub3A_124, %div3A : i32
    %jit3A_125 = arith.constant 8 : i32
    %eq3A = arith.constant 0 : i32
    %eq3A_126 = arith.cmpi eq, %jit3A_125, %eq3A : i32
    %jit3A_127 = arith.constant 1 : i32
    %select_n3A_128 = arith.select %eq3A_126, %jit3A_127, %jit3A_125 : i32
    %rem3A_129 = arith.remsi %add3A, %select_n3A_128 : i32
    %ne3A_130 = arith.constant 0 : i32
    %ne3A_131 = arith.cmpi ne, %rem3A_129, %ne3A_130 : i32
    %lt3A = arith.constant 0 : i32
    %lt3A_132 = arith.cmpi slt, %rem3A_129, %lt3A : i32
    %lt3A_133 = arith.constant 0 : i32
    %lt3A_134 = arith.cmpi slt, %select_n3A_128, %lt3A_133 : i32
    %ne3A_135 = arith.xori %lt3A_132, %lt3A_134 : i1
    %and3A_136 = arith.andi %ne3A_135, %ne3A_131 : i1
    %add3A_137 = arith.addi %rem3A_129, %select_n3A_128 : i32
    %select_n3A_138 = arith.select %and3A_136, %add3A_137, %rem3A_129 : i32
    %mul3A_139 = arith.constant 16 : i32
    %mul3A_140 = arith.muli %select_n3A_138, %mul3A_139 : i32
    "tpu.region"() ({
      %run_scoped3A = tpu.sem_alloc : memref<!tpu.dma_semaphore, #tpu.memory_space<semaphore_mem>>
      %dma_start3A_141 = tpu.memref_slice %arg8[%select_n3A, %mul3A_140] : memref<4x128xf32, #tpu.memory_space<hbm>> -> memref<1x16xf32, #tpu.memory_space<hbm>>
      %dma_start3A_142 = tpu.memref_squeeze %dma_start3A_141 : memref<1x16xf32, #tpu.memory_space<hbm>> -> memref<16xf32, #tpu.memory_space<hbm>>
      %dma_start3A_143 = tpu.memref_slice %arg8[%select_n3A, %mul3A_140] : memref<4x128xf32, #tpu.memory_space<hbm>> -> memref<1x16xf32, #tpu.memory_space<hbm>>
      %dma_start3A_144 = tpu.memref_squeeze %dma_start3A_143 : memref<1x16xf32, #tpu.memory_space<hbm>> -> memref<16xf32, #tpu.memory_space<hbm>>
      tpu.enqueue_dma source(%arg12 : memref<16xf32, #tpu.memory_space<vmem>>) target(%dma_start3A_144 : memref<16xf32, #tpu.memory_space<hbm>>) target_semaphore(%run_scoped3A : memref<!tpu.dma_semaphore, #tpu.memory_space<semaphore_mem>>)
      %dma_wait3A_145 = tpu.memref_slice %arg8[%select_n3A, %mul3A_140] : memref<4x128xf32, #tpu.memory_space<hbm>> -> memref<1x16xf32, #tpu.memory_space<hbm>>
      %dma_wait3A_146 = tpu.memref_squeeze %dma_wait3A_145 : memref<1x16xf32, #tpu.memory_space<hbm>> -> memref<16xf32, #tpu.memory_space<hbm>>
      %dma_wait3A_147 = tpu.memref_slice %arg8[%select_n3A, %mul3A_140] : memref<4x128xf32, #tpu.memory_space<hbm>> -> memref<1x16xf32, #tpu.memory_space<hbm>>
      %dma_wait3A_148 = tpu.memref_squeeze %dma_wait3A_147 : memref<1x16xf32, #tpu.memory_space<hbm>> -> memref<16xf32, #tpu.memory_space<hbm>>
      tpu.wait_dma2 semaphore(%run_scoped3A : memref<!tpu.dma_semaphore, #tpu.memory_space<semaphore_mem>>) src(%arg12 : memref<16xf32, #tpu.memory_space<vmem>>) dst(%dma_wait3A_148 : memref<16xf32, #tpu.memory_space<hbm>>)
      tpu.yield
    }) : () -> ()
    return
  }
}

module attributes {stable_mosaic.version = 14 : i64} {
  func.func @body(%arg0: memref<4x128xf32, #tpu.memory_space<vmem>>, %arg1: memref<1x1xf32, #tpu.memory_space<smem>>) attributes {dimension_semantics = [], scalar_prefetch = 0 : i64, scratch_operands = 0 : i64, tpu.core_type = #tpu.core_type<tc>} {
    %get3A = arith.constant 0 : index
    %get3A_0 = arith.constant 0 : index
    %get3A_1 = vector.load %arg0[%get3A, %get3A_0] : memref<4x128xf32, #tpu.memory_space<vmem>>, vector<4x128xf32>
    %reduce_sum3A = vector.shape_cast %get3A_1 : vector<4x128xf32> to vector<1x4x128xf32>
    %reduce_sum3A_2 = arith.constant dense<0.000000e+00> : vector<1xf32>
    %reduce_sum3A_3 = vector.multi_reduction <add>, %reduce_sum3A, %reduce_sum3A_2 [1, 2] : vector<1x4x128xf32> to vector<1xf32>
    %reduce_sum3A_4 = vector.shape_cast %reduce_sum3A_3 : vector<1xf32> to vector<1x1x1xf32>
    %reduce_sum3A_5 = vector.extract %reduce_sum3A_4[0, 0, 0] : f32 from vector<1x1x1xf32>
    %mul3A = arith.constant 6.10351563E-5 : f32
    %mul3A_6 = arith.mulf %reduce_sum3A_5, %mul3A : f32
    %swap3A = arith.constant 0 : index
    %swap3A_7 = arith.constant 0 : index
    %swap3A_8 = memref.load %arg1[%swap3A, %swap3A_7] : memref<1x1xf32, #tpu.memory_space<smem>>
    memref.store %mul3A_6, %arg1[%swap3A, %swap3A_7] : memref<1x1xf32, #tpu.memory_space<smem>>
    return
  }
}

</mosaic_0001>

<sc_bundles>
// kernel: kernel.4.cloned.1.call-start
scs
__scs_entry_jumppad:
0x0: {  	(pc) =	sbr.rel $0x88, $3  }
0x1: {  	(tag) =	ssettag $0x0;
	lr =	simm.s32 $0x1  }
0x2: {  	[smem:$0x3F9A] =	sst lr;
	_ =	strace $0xD0000000  }
0x3: {  	_ = 	snop  }
0x4: {  	_ = 	snop  }
0x5: {  	_ = 	snop  }
0x6: {  	_ = 	snop  }
0x7: {  	_ = 	snop  }
__scs_overlays_trampoline_lowered:
0x8: {  	[smem:$0x3FA9] =	sst s0  }
0x9: {  	[smem:$0x3FAA] =	sst s1  }
0xa: {  	[smem:$0x3FAB] =	sst s2  }
0xb: {  	[smem:$0x3FAC] =	sst s3  }
0xc: {  	[smem:$0x3FAD] =	sst s4  }
0xd: {  	[smem:$0x3FAE] =	sst s5  }
0xe: {  	[smem:$0x3FAF] =	sst s6  }
0xf: {  	[smem:$0x3FB0] =	sst s7  }
0x10: {  	[smem:$0x3FB1] =	sst s8  }
0x11: {  	[smem:$0x3FB2] =	sst s9;
	s0 =	simm.s32 @!p0 $0x0  }
0x12: {  	s1 =	sld [smem:$0x3F98];
	s0 =	simm.s32 @p0 $0x1  }
0x13: {  	[smem:$0x3FB3] =	sst s0;
	s0 =	simm.s32 @!p1 $0x0  }
0x14: {  	s2 =	sld [smem:$0x3F97];
	s0 =	simm.s32 @p1 $0x1  }
0x15: {  	[smem:$0x3FB4] =	sst s0;
	s0 =	simm.s32 @!p2 $0x0  }
0x16: {  	s3 =	sld [smem:$0x3FDB];
	s0 =	simm.s32 @p2 $0x1  }
0x17: {  	s4 =	simm.s32 $0x1BF5;
	[smem:$0x3FB6] =	sst s0  }
0x18: {  	s0 =	sld [smem:$0x3F99];
	_ =	swait.ge [sflag:s4], $0x0  }
0x19: {  	s7 =	sld [smem:$0x3F9A]  }
0x1a: {  	s8 =	sadd.s32 $0xFFFFE003, lr  }
0x1b: {  	s9 =	sadd.s32 $0xFFFFFEF7, lr;
	s5 =	simm.s32 $0xFFFFFFFF;
	p2 =	slt.u32 s8, $0xFFFFF086  }
0x1c: {  	p1 =	slt.u32 s9, $0xF7A;
	s5 =	simm.s32 @!p2 $0x0  }
0x1d: {  	s5 =	simm.s32 @p1 $0x1;
	p0 =	seq.s32 s7, s2  }
0x1e: {  	s7 =	smul.u32 @!p0 $0xF7A, s2;
	p2 =	seq.s32 @!p0 s5, $0x0  }
0x1f: {  	s9 =	smul.u32 $0xF7A, s1;
	s8 =	simm.s32 @!p0 $0x1BF5;
	p2 =	por !p2, p0  }
0x20: {  	[sflag:s8] =	ssyncset.s32 @!p0 $0xFFFFF086;
	s6 =	sadd.s32 @!p0 s3, s7;
	s7 =	simm.s32 @!p0 $0x108  }
0x21: {  	s3 =	sadd.s32 s3, s9;
	s6 =	sadd.s32 @!p0 $0x88, s6;
	s7 =	simm.s32 @p2 $0x1082  }
0x22: {  	[simem:s7], [sflag:s8] =	dma.local @!p0 [hbm:s6], $0xF7A  }
0x23: {  	s9 =	sor.u32 $0xD0000000, s2;
	s6 =	simm.s32 $0x108;
	_ =	swait.ge @!p0 [sflag:s8], $0x0  }
0x24: {  	s3 =	sadd.s32 $0x88, s3;
	s6 =	simm.s32 @!p1 $0x1082;
	[sflag:s4] =	ssyncset.s32 $0xFFFFF086  }
0x25: {  	[simem:s6], [sflag:s4] =	dma.local [hbm:s3], $0xF7A  }
0x26: {  	[smem:$0x3F9A] =	sst s1;
	(tag) =	ssettag s2;
	_ =	strace s9  }
0x27: {  	s1 =	sld [smem:$0x3FAA]  }
0x28: {  	s2 =	sld [smem:$0x3FAB]  }
0x29: {  	s4 =	sld [smem:$0x3FAD]  }
0x2a: {  	p0 =	seq.s32 s5, $0x0;
	s5 =	sld [smem:$0x3FAE]  }
0x2b: {  	s6 =	sld [smem:$0x3FAF]  }
0x2c: {  	s7 =	sld [smem:$0x3FB0]  }
0x2d: {  	s3 =	simm.s32 $0x108;
	s8 =	sld [smem:$0x3FB1]  }
0x2e: {  	s3 =	simm.s32 @!p0 $0x1082;
	s9 =	sld [smem:$0x3FB2]  }
0x2f: {  	lr =	sadd.s32 s0, s3;
	s0 =	sld [smem:$0x3FA9]  }
0x30: {  	s3 =	sld [smem:$0x3FAC]  }
0x31: {  	[smem:$0x3FB5] =	sst s10  }
0x32: {  	s10 =	sld [smem:$0x3FB3];
	_ =	sdelay $0x3  }
0x33: {  	p0 =	seq.s32 s10, $0x1;
	s10 =	sld [smem:$0x3FB5];
	_ =	sdelay $0x3  }
0x34: {  	[smem:$0x3FB5] =	sst s10  }
0x35: {  	s10 =	sld [smem:$0x3FB4];
	_ =	sdelay $0x3  }
0x36: {  	p1 =	seq.s32 s10, $0x1;
	s10 =	sld [smem:$0x3FB5];
	_ =	sdelay $0x3  }
0x37: {  	[smem:$0x3FB5] =	sst s10  }
0x38: {  	s10 =	sld [smem:$0x3FB6]  }
0x39: {  	_ = 	snop;
	(pc) =	sbr.ind lr, $3  }
0x3a: {  	_ = 	snop  }
0x3b: {  	_ = 	snop  }
0x3c: {  	p2 =	seq.s32 s10, $0x1;
	s10 =	sld [smem:$0x3FB5]  }
0x3d: {  	_ =	shalt  }
0x3e: {  	_ =	shalt  }
0x3f: {  	_ =	shalt  }
0x40: {  	_ =	shalt  }
0x41: {  	_ =	shalt  }
0x42: {  	_ =	shalt  }
0x43: {  	_ =	shalt  }
0x44: {  	_ =	shalt  }
0x45: {  	_ =	shalt  }
0x46: {  	_ =	shalt  }
0x47: {  	_ =	shalt  }
0x48: {  	_ =	shalt  }
0x49: {  	_ =	shalt  }
0x4a: {  	_ =	shalt  }
0x4b: {  	_ =	shalt  }
0x4c: {  	_ =	shalt  }
0x4d: {  	_ =	shalt  }
0x4e: {  	_ =	shalt  }
0x4f: {  	_ =	shalt  }
0x50: {  	_ =	shalt  }
0x51: {  	_ =	shalt  }
0x52: {  	_ =	shalt  }
0x53: {  	_ =	shalt  }
0x54: {  	_ =	shalt  }
0x55: {  	_ =	shalt  }
0x56: {  	_ =	shalt  }
0x57: {  	_ =	shalt  }
0x58: {  	_ =	shalt  }
0x59: {  	_ =	shalt  }
0x5a: {  	_ =	shalt  }
0x5b: {  	_ =	shalt  }
0x5c: {  	_ =	shalt  }
0x5d: {  	_ =	shalt  }
0x5e: {  	_ =	shalt  }
0x5f: {  	_ =	shalt  }
0x60: {  	_ =	shalt  }
0x61: {  	_ =	shalt  }
0x62: {  	_ =	shalt  }
0x63: {  	_ =	shalt  }
0x64: {  	_ =	shalt  }
0x65: {  	_ =	shalt  }
0x66: {  	_ =	shalt  }
0x67: {  	_ =	shalt  }
0x68: {  	_ =	shalt  }
0x69: {  	_ =	shalt  }
0x6a: {  	_ =	shalt  }
0x6b: {  	_ =	shalt  }
0x6c: {  	_ =	shalt  }
0x6d: {  	_ =	shalt  }
0x6e: {  	_ =	shalt  }
0x6f: {  	_ =	shalt  }
0x70: {  	_ =	shalt  }
0x71: {  	_ =	shalt  }
0x72: {  	_ =	shalt  }
0x73: {  	_ =	shalt  }
0x74: {  	_ =	shalt  }
0x75: {  	_ =	shalt  }
0x76: {  	_ =	shalt  }
0x77: {  	_ =	shalt  }
0x78: {  	_ =	shalt  }
0x79: {  	_ =	shalt  }
0x7a: {  	_ =	shalt  }
0x7b: {  	_ =	shalt  }
0x7c: {  	_ =	shalt  }
0x7d: {  	_ =	shalt  }
0x7e: {  	_ =	shalt  }
0x7f: {  	_ =	shalt  }
0x80: {  	_ =	shalt  }
0x81: {  	_ =	shalt  }
0x82: {  	_ =	shalt  }
0x83: {  	_ =	shalt  }
0x84: {  	_ =	shalt  }
0x85: {  	_ =	shalt  }
0x86: {  	_ =	shalt  }
0x87: {  	_ =	shalt  }
.Lfunc_end0:
.L_simem_size_0:
called_computation_lowered:
.L_overlay_start_0:
0x88: {  	s2 =	sld [smem:$0x3FD9]  }
0x89: {  	s3 =	sld [smem:$0x3FFE];
	_ =	sdelay $0x1  }
0x8a: {  	s1 =	srdreg.scid  }
0x8b: {  	s0 =	sand.u32 $0x1, s1  }
0x8c: {  	s17 =	sshll.u32 s0, $0xA;
	s2 =	sadd.s32 s3, s2  }
0x8d: {  	s2 =	sadd.s32 s2, s17  }
0x8e: {  	[smem:$0x3FC1] =	sst s2  }
0x8f: {  	_ = 	snop  }
0x90: {  	s2 =	sld [smem:$0x3FC7]  }
0x91: {  	s18 =	sld [smem:$0x3FC6]  }
0x92: {  	s4 =	sld [smem:$0x3FC5]  }
0x93: {  	s5 =	sld [smem:$0x3FC4]  }
0x94: {  	s6 =	sld [smem:$0x3FC3]  }
0x95: {  	s7 =	sld [smem:$0x3FD0];
	(tm) =	ssettm $0x1  }
0x96: {  	s8 =	sld [smem:$0x3FFB];
	_ =	sdelay $0x3  }
0x97: {  	_ =	strace s8  }
0x98: {  	s8 =	sld [smem:$0x3FFC];
	_ =	sdelay $0x3  }
0x99: {  	_ =	strace s8  }
0x9a: {  	s8 =	sld [smem:$0x3FFD];
	_ =	sdelay $0x3  }
0x9b: {  	_ =	strace s8  }
0x9c: {  	_ =	strace $0x8FFFFFFF  }
0x9d: {  	s19 =	sld [smem:$0x3FDB];
	_ =	sdelay $0x1  }
0x9e: {  	s9 =	simm.s32 $_scs_section_size  }
0x9f: {  	s10 =	simm.s32 $_size__tile_overlayer_lowered;
	s11 =	simm.s32 $_tile_overlayer_lowered  }
0xa0: {  	s22 =	simm.s32 $0x1BFF;
	s21 =	sshll.u32 s11, $0x1;
	s8 =	sadd.s32 s9, s19  }
0xa1: {  	s12 =	simm.s32 $0x0;
	s20 =	sshll.u32 s10, $0x1;
	s10 =	sadd.s32 s21, s8  }
0xa2: {  	[timem:s12], [sflag:s22] =	dma.local [hbm:s10], s20  }
0xa3: {  	_ =	swait.ge [sflag:s22], s20  }
0xa4: {  	s9 =	ssub.s32 $0x0, s20;
	[sflag:s22] =	ssyncset.done $0x0  }
0xa5: {  	[sflag:s22] =	ssyncadd.s32 s9;
	_ =	sdelay $0x1  }
0xa6: {  	s23 =	simm.s32 $0x1B8B  }
0xa7: {  	_ =	swait.ge [sflag:s23], $0x1  }
0xa8: {  	[sflag:s23] =	ssyncset.done $0x0  }
0xa9: {  	s25 =	simm.s32 $0x1B8E;
	s24 =	sld [smem:$0x3FFE];
	[sflag:s23] =	ssyncadd.s32 $0xFFFFFFFF  }
0xaa: {  	s26 =	simm.s32 $execute0_lowered;
	[smem:$0x3FD2] =	sst s25  }
0xab: {  	s10 =	sshll.u32 s26, $0x1;
	_ =	strace $0x80000046;
	[dreg:$0x1] =	wrdreg $0xFFFFFFFF  }
0xac: {  	s28 =	simm.s32 $_size_execute0_lowered;
	s8 =	sadd.s32 s8, s10;
	[dreg:$0x0] =	wrdreg $0x0  }
0xad: {  	s10 =	sshll.u32 s28, $0x1;
	[dreg:$0x2] =	wrdreg s8  }
0xae: {  	[dreg:$0x3] =	wrdreg s10  }
0xaf: {  	[dreg:$0x4] =	wrdreg $0xC0  }
0xb0: {  	_ =	task [dreg:s12], $0x5FFFF  }
0xb1: {  	[dreg:$0x1] =	wrdreg $0xFFFFFFFF  }
0xb2: {  	[dreg:$0x0] =	wrdreg $0x60  }
0xb3: {  	[dreg:$0x2] =	wrdreg s7  }
0xb4: {  	[dreg:$0x3] =	wrdreg s2  }
0xb5: {  	[dreg:$0x4] =	wrdreg s18  }
0xb6: {  	[dreg:$0x5] =	wrdreg s4  }
0xb7: {  	[dreg:$0x6] =	wrdreg s5  }
0xb8: {  	[dreg:$0x7] =	wrdreg s6  }
0xb9: {  	[dreg:$0x8] =	wrdreg s24  }
0xba: {  	[dreg:$0x9] =	wrdreg $0x9  }
0xbb: {  	_ =	task.clear_ibuf [dreg:s12], $0xAFFFF;
	_ =	strace $0x90000046  }
0xbc: {  	s29 =	simm.s32 $0x9;
	_ =	strace $0x80000048  }
0xbd: {  	_ =	swait.ge [sflag:s29], $0x1  }
0xbe: {  	[sflag:s29] =	ssyncadd.s32 $0xFFFFFFFF  }
0xbf: {  	_ =	strace $0x90000048  }
0xc0: {  	_ =	sfence  }
0xc1: {  	s30 =	sld [smem:$0x0];
	_ =	sdelay $0x2  }
0xc2: {  	s31 =	sshll.u32 s1, $0xD;
	s1 =	sshrl.u32 s1, $0x2  }
0xc3: {  	s3 =	sand.u32 $0x4000, s31;
	s1 =	sadd.s32 s1, s30  }
0xc4: {  	s0 =	sor.u32 s3, s0;
	s1 =	sshll.u32 s1, $0x11  }
0xc5: {  	s0 =	sor.u32 s1, s0  }
0xc6: {  	s0 =	sadd.s32 $0x8F2B, s0  }
0xc7: {  	[sflag:s0] =	ssyncadd.remote.s32 $0x1  }
0xc8: {  	_ =	sfence.sel $0xFFFF  }
0xc9: {  	[dreg:$0x0] =	wrdreg $0xFFFFFFFF;
	(pc) =	sbr.abs _section_cstart, $3  }
0xca: {  	[dreg:$0x1] =	wrdreg $0xFFFFFFFF  }
0xcb: {  	_ =	task.clear_ibuf [dreg:s12], $0x2FFFF;
	_ =	strace $0x9FFFFFFF  }
0xcc: {  	(tm) =	ssettm $0x7FFFFFFF  }
0xcd: {  	_ =	shalt  }
tec
execute0_lowered:
.L_overlay_start_1:
0x0: {  	(tag) =	ssettag $0x1  }
0x1: {  	s0 =	rddreg [dreg:$0x0]  }
0x2: {  	s4 =	rddreg [dreg:$0x1]  }
0x3: {  	s5 =	rddreg [dreg:$0x2]  }
0x4: {  	s6 =	rddreg [dreg:$0x3]  }
0x5: {  	s8 =	rddreg [dreg:$0x4]  }
0x6: {  	s9 =	rddreg [dreg:$0x5]  }
0x7: {  	s7 =	rddreg [dreg:$0x6]  }
0x8: {  	s1 =	rddreg [dreg:$0x7];
	s3 =	simm.s32 $0x0  }
0x9: {  	s2 =	stileid.u32;
	s10 =	srdreg.scid;
	s14 =	simm.s32 $0x600  }
0xa: {  	s15 =	simm.s32 $0x800;
	s16 =	simm.s32 $0x1;
	s17 =	simm.s32 $0xA80  }
0xb: {  	s18 =	simm.s32 $0x2;
	s19 =	simm.s32 $0x0;
	[smem:$0x7FF] =	sst s3  }
0xc: {  	s11 =	sshll.u32 s2, $0x2;
	s10 =	sand.u32 $0x1, s10;
	s12 =	sshll.u32 s2, $0x1  }
0xd: {  	v0 =	vimm.s32 $0x302A241E;
	_ =	strace $0x80000047;
	s11 =	sand.u32 $0x30, s11;
	s12 =	sor.u32 s10, s12  }
0xe: {  	v1 =	vimm.s32 $0x312B251F;
	v2 =	vimm.s32 $0x322C2620;
	v3 =	vimm.s32 $0x332D2721;
	s10 =	ssub.s32 $0x2, s10;
	s7 =	sadd.s32 s11, s7;
	s31 =	sshll.u32 s12, $0x1  }
0xf: {  	vm0 =	vcmask $0xF00;
	v4 =	vimm.s32 $0x342E2822;
	v5 =	vimm.s32 $0x352F2923;
	s13 =	sshrl.u32 s10, $0x1;
	s12 =	sshll.u32 s12, $0x6;
	s11 =	sand.u32 $0xE, s31  }
0x10: {  	v0 =	vunpack.c.0.s8.s32 v0;
	v1 =	vunpack.c.0.s8.s32 v1;
	v2 =	vunpack.c.0.s8.s32 v2;
	s10 =	ssub.s32 s10, s13;
	s4 =	sadd.s32 s4, s12;
	s5 =	sadd.s32 s5, s12  }
0x11: {  	v3 =	vunpack.c.0.s8.s32 v3;
	v4 =	vunpack.c.0.s8.s32 v4;
	v5 =	vunpack.c.0.s8.s32 v5;
	s6 =	sadd.s32 s6, s12;
	s8 =	sadd.s32 s8, s12;
	s9 =	sadd.s32 s9, s12  }
0x12: {  	v0 =	vnsel vm0, $0x36, v0;
	v1 =	vnsel vm0, $0x37, v1;
	v2 =	vnsel vm0, $0x38, v2;
	s12 =	simm.s32 $0x200;
	s13 =	simm.s32 $0x400;
	s7 =	sadd.s32 s11, s7  }
0x13: {  	v3 =	vnsel vm0, $0x39, v3;
	v4 =	vnsel vm0, $0x3A, v4;
	v5 =	vnsel vm0, $0x3B, v5;
	s10 =	smax.u32 s10, $0x1;
	s11 =	simm.s32 $0xA00;
	s7 =	sadd.s32 $0x800, s7  }
.LBB2_1:
0x14: {  	[tilespmem:s11], [sflag:$0x1] =	stream.linear.gather [hbm4b:s0+s3], $0x80, $0x38;
	[tilespmem:$0xB00] =	vst v63  }
0x15: {  	_ = 	snop  }
0x16: {  	[tilespmem:s3], [sflag:$0x1] =	stream.linear.gather [hbm4b:s4+s3], $0x200, $0x38;
	[tilespmem:$0xB00] =	vst v63  }
0x17: {  	_ = 	snop  }
0x18: {  	[tilespmem:s12], [sflag:$0x1] =	stream.linear.gather [hbm4b:s5+s3], $0x200, $0x38;
	[tilespmem:$0xB00] =	vst v63  }
0x19: {  	_ = 	snop  }
0x1a: {  	[tilespmem:s13], [sflag:$0x1] =	stream.linear.gather [hbm4b:s6+s3], $0x200, $0x38;
	[tilespmem:$0xB00] =	vst v63  }
0x1b: {  	_ = 	snop  }
0x1c: {  	[tilespmem:s14], [sflag:$0x1] =	stream.linear.gather [hbm4b:s8+s3], $0x200, $0x38;
	[tilespmem:$0xB00] =	vst v63  }
0x1d: {  	_ = 	snop  }
0x1e: {  	[tilespmem:s15], [sflag:$0x1] =	stream.linear.gather [hbm4b:s9+s3], $0x200, $0x38;
	[tilespmem:$0xB00] =	vst v63  }
0x1f: {  	_ =	swait.ge [sflag:s16], $0x80  }
0x20: {  	[sflag:s16] =	ssyncset.done $0x0  }
0x21: {  	[sflag:s16] =	ssyncadd.s32 $0xFFFFFF80  }
0x22: {  	_ =	swait.ge [sflag:s16], $0x200  }
0x23: {  	[sflag:s16] =	ssyncset.done $0x0  }
0x24: {  	[sflag:s16] =	ssyncadd.s32 $0xFFFFFE00  }
0x25: {  	_ =	swait.ge [sflag:s16], $0x200  }
0x26: {  	[sflag:s16] =	ssyncset.done $0x0  }
0x27: {  	[sflag:s16] =	ssyncadd.s32 $0xFFFFFE00  }
0x28: {  	_ =	swait.ge [sflag:s16], $0x200  }
0x29: {  	[sflag:s16] =	ssyncset.done $0x0  }
0x2a: {  	[sflag:s16] =	ssyncadd.s32 $0xFFFFFE00  }
0x2b: {  	_ =	swait.ge [sflag:s16], $0x200  }
0x2c: {  	[sflag:s16] =	ssyncset.done $0x0  }
0x2d: {  	[sflag:s16] =	ssyncadd.s32 $0xFFFFFE00  }
0x2e: {  	_ =	swait.ge [sflag:s16], $0x200  }
0x2f: {  	[sflag:s16] =	ssyncset.done $0x0  }
0x30: {  	[sflag:s16] =	ssyncadd.s32 $0xFFFFFE00  }
0x31: {  	v6 =	vld.idx.msk [tilespmem:v0+s11+$0x0], $0xffff  }
0x32: {  	v7 =	vld.idx.msk [tilespmem:v1+s11+$0x0], $0xffff  }
0x33: {  	v8 =	vld.idx.msk [tilespmem:v2+s11+$0x0], $0xffff  }
0x34: {  	v9 =	vld.idx.msk [tilespmem:v3+s11+$0x0], $0xffff  }
0x35: {  	v10 =	vld.idx.msk [tilespmem:v4+s11+$0x0], $0xffff  }
0x36: {  	v11 =	vld.idx.msk [tilespmem:v5+s11+$0x0], $0xffff  }
0x37: {  	v6 =	vmax.f32 v6, v7  }
0x38: {  	v6 =	vmax.f32 v6, v8  }
0x39: {  	v6 =	vmax.f32 v6, v9  }
0x3a: {  	v6 =	vmax.f32 v6, v10  }
0x3b: {  	v8 =	vimm.f32 $0.0e+00;
	v7 =	vmax.f32 v6, v11  }
0x3c: {  	p0 =	por $0x1, $0x1;
	s20 =	simm.s32 $0x0;
	v9 =	vimm.f32 $0.0e+00;
	v6 =	vimm.f32 $0.0e+00;
	[tilespmem:$0xA80] =	vst v7;
	v7 =	vimm.f32 $0.0e+00  }
.LBB2_2:
0x3d: {  	v10 =	vld [tilespmem:s20+$0x0]  }
0x3e: {  	v11 =	vld [tilespmem:s20+$0x400]  }
0x3f: {  	v13 =	vld [tilespmem:s20+$0x600]  }
0x40: {  	v14 =	vld [tilespmem:s20+$0x800]  }
0x41: {  	v16 =	vld [tilespmem:s20+$0x410]  }
0x42: {  	v17 =	vld [tilespmem:s20+$0x610]  }
0x43: {  	v19 =	vld [tilespmem:s20+$0x810]  }
0x44: {  	v20 =	vld [tilespmem:s20+$0x420]  }
0x45: {  	v61 =	vld [tilespmem:s20+$0x430]  }
0x46: {  	v24 =	vld [tilespmem:s20+$0x620]  }
0x47: {  	v63 =	vld [tilespmem:s20+$0x820]  }
0x48: {  	v25 =	vld [tilespmem:s20+$0x630]  }
0x49: {  	v26 =	vld [tilespmem:s20+$0x830]  }
0x4a: {  	v28 =	vld [tilespmem:s20+$0x440]  }
0x4b: {  	v29 =	vld [tilespmem:s20+$0x640]  }
0x4c: {  	v31 =	vld [tilespmem:s20+$0x840]  }
0x4d: {  	v32 =	vld [tilespmem:s20+$0x450]  }
0x4e: {  	v56 =	vld [tilespmem:s20+$0x460]  }
0x4f: {  	v36 =	vld [tilespmem:s20+$0x650]  }
0x50: {  	v37 =	vld [tilespmem:s20+$0x660]  }
0x51: {  	v38 =	vld [tilespmem:s20+$0x860]  }
0x52: {  	v40 =	vld [tilespmem:s20+$0x470]  }
0x53: {  	v41 =	vld [tilespmem:s20+$0x670]  }
0x54: {  	v43 =	vld [tilespmem:s20+$0x870]  }
0x55: {  	v44 =	vld [tilespmem:s20+$0x480]  }
0x56: {  	v46 =	vld [tilespmem:s20+$0x490]  }
0x57: {  	v48 =	vld [tilespmem:s20+$0x680]  }
0x58: {  	s21 =	sor.u32 $0x200, s20;
	v49 =	vld [tilespmem:s20+$0x890];
	v10 =	vmul.u32 $0x6, v10  }
0x59: {  	s30 =	sor.u32 $0x210, s20;
	v12 =	vld [tilespmem:s21+$0x0]  }
0x5a: {  	s31 =	sor.u32 $0x20, s20;
	v58 =	vld [tilespmem:s30+$0x0];
	v10 =	vadd.s32 v10, v11  }
0x5b: {  	s22 =	sor.u32 $0x220, s20;
	v18 =	vld [tilespmem:s31+$0x0]  }
0x5c: {  	s23 =	sor.u32 $0x30, s20;
	v59 =	vld [tilespmem:s22+$0x0]  }
0x5d: {  	s24 =	sor.u32 $0x230, s20;
	v21 =	vld [tilespmem:s23+$0x0]  }
0x5e: {  	v62 =	vld [tilespmem:s24+$0x0]  }
0x5f: {  	s29 =	sor.u32 $0x10, s20;
	v11 =	vld.idx.msk [tilespmem:v10+s11+$0x0], $0xffff  }
0x60: {  	s26 =	sor.u32 $0x240, s20;
	v10 =	vld [tilespmem:s29+$0x0]  }
0x61: {  	s28 =	sor.u32 $0x50, s20;
	v53 =	vld [tilespmem:s26+$0x0]  }
0x62: {  	v30 =	vld [tilespmem:s28+$0x0];
	s30 =	sor.u32 $0x60, s20  }
0x63: {  	s31 =	sor.u32 $0x260, s20;
	v33 =	vld [tilespmem:s30+$0x0]  }
0x64: {  	s23 =	sor.u32 $0x270, s20;
	v57 =	vld [tilespmem:s31+$0x0]  }
0x65: {  	s24 =	sor.u32 $0x80, s20;
	v39 =	vld [tilespmem:s23+$0x0];
	v10 =	vmul.u32 $0x6, v10  }
0x66: {  	s26 =	sor.u32 $0x90, s20;
	v42 =	vld [tilespmem:s24+$0x0]  }
0x67: {  	v45 =	vld [tilespmem:s26+$0x0];
	s30 =	sor.u32 $0x2A0, s20;
	v10 =	vadd.s32 v10, v16  }
0x68: {  	v52 =	vld [tilespmem:s30+$0x0]  }
0x69: {  	v60 =	vmul.u32 $0x6, v18;
	v15 =	vld.idx.msk [tilespmem:v12+s17+$0x0], $0xffff  }
0x6a: {  	v22 =	vld.idx.msk [tilespmem:v58+s17+$0x0], $0xffff  }
0x6b: {  	v12 =	vadd.s32 v60, v20;
	v20 =	vld.idx.msk [tilespmem:v62+s17+$0x0], $0xffff  }
0x6c: {  	v23 =	vld.idx.msk [tilespmem:v10+s11+$0x0], $0xffff;
	v10 =	vmul.u32 $0x6, v21  }
0x6d: {  	v34 =	vld.idx.msk [tilespmem:v53+s17+$0x0], $0xffff  }
0x6e: {  	v53 =	vld [tilespmem:s20+$0x4A0];
	v10 =	vadd.s32 v10, v61  }
0x6f: {  	v60 =	vsub.f32 $1.000000000e+00, v63;
	v63 =	vld [tilespmem:s20+$0x4C0]  }
0x70: {  	v42 =	vmul.u32 $0x6, v42;
	v39 =	vld.idx.msk [tilespmem:v39+s17+$0x0], $0xffff;
	s29 =	sor.u32 $0x250, s20  }
0x71: {  	v19 =	vsub.f32 $1.000000000e+00, v19;
	v54 =	vld [tilespmem:s29+$0x0]  }
0x72: {  	v42 =	vadd.s32 v42, v44;
	v18 =	vld.idx.msk [tilespmem:v12+s11+$0x0], $0xffff  }
0x73: {  	s25 =	sor.u32 $0x40, s20;
	v55 =	vmul.u32 $0x6, v30;
	v19 =	vmul.f32 $9.900000090e-01, v19;
	v27 =	vld.idx.msk [tilespmem:v10+s11+$0x0], $0xffff  }
0x74: {  	v62 =	vsub.f32 $1.000000000e+00, v26;
	v10 =	vld [tilespmem:s25+$0x0]  }
0x75: {  	s29 =	sor.u32 $0xA0, s20;
	v12 =	vadd.s32 v55, v32;
	v32 =	vld.idx.msk [tilespmem:v57+s17+$0x0], $0xffff;
	v19 =	vmul.f32 v19, v22  }
0x76: {  	v51 =	vld [tilespmem:s29+$0x0];
	v57 =	vmul.f32 $9.900000090e-01, v60;
	v60 =	vmul.f32 $9.900000090e-01, v62;
	v62 =	vsub.f32 $1.000000000e+00, v31  }
0x77: {  	v14 =	vsub.f32 $1.000000000e+00, v14;
	v42 =	vld.idx.msk [tilespmem:v42+s11+$0x0], $0xffff  }
0x78: {  	v55 =	vld [tilespmem:s20+$0x8A0];
	v17 =	vadd.f32 v19, v17;
	v19 =	vmul.f32 v60, v20;
	v20 =	vmul.f32 $9.900000090e-01, v62  }
0x79: {  	v14 =	vmul.f32 $9.900000090e-01, v14;
	v60 =	vld [tilespmem:s20+$0x8D0];
	v10 =	vmul.u32 $0x6, v10  }
0x7a: {  	v34 =	vmul.f32 v20, v34;
	v20 =	vld [tilespmem:s20+$0x8C0]  }
0x7b: {  	s28 =	sor.u32 $0x290, s20;
	v14 =	vmul.f32 v14, v15;
	v16 =	vld.idx.msk [tilespmem:v59+s17+$0x0], $0xffff;
	v51 =	vmul.u32 $0x6, v51;
	v10 =	vadd.s32 v10, v28  }
0x7c: {  	v59 =	vld [tilespmem:s28+$0x0]  }
0x7d: {  	s23 =	sor.u32 $0xC0, s20;
	v13 =	vadd.f32 v14, v13;
	v30 =	vld.idx.msk [tilespmem:v12+s11+$0x0], $0xffff;
	v15 =	vadd.s32 v51, v53  }
0x7e: {  	v53 =	vld [tilespmem:s23+$0x0]  }
0x7f: {  	v11 =	vsub.f32 v11, v13;
	v21 =	vld.idx.msk [tilespmem:v52+s17+$0x0], $0xffff  }
0x80: {  	v35 =	vld.idx.msk [tilespmem:v10+s11+$0x0], $0xffff;
	v10 =	vmul.u32 $0x6, v33  }
0x81: {  	v11 =	vmul.f32 v11, v11;
	v13 =	vmul.f32 v57, v16;
	v16 =	vld [tilespmem:s20+$0x6B0]  }
0x82: {  	v15 =	vld.idx.msk [tilespmem:v15+s11+$0x0], $0xffff;
	v10 =	vadd.s32 v10, v56  }
0x83: {  	v9 =	vadd.f32 v11, v9;
	v11 =	vadd.f32 v13, v24;
	v24 =	vld [tilespmem:s20+$0x6C0]  }
0x84: {  	s24 =	sor.u32 $0x2C0, s20;
	v44 =	vld.idx.msk [tilespmem:v59+s17+$0x0], $0xffff  }
0x85: {  	v59 =	vld [tilespmem:s24+$0x0];
	s25 =	sor.u32 $0x280, s20  }
0x86: {  	v58 =	vld [tilespmem:s25+$0x0]  }
0x87: {  	s22 =	sor.u32 $0x70, s20;
	v12 =	vld.idx.msk [tilespmem:v10+s11+$0x0], $0xffff  }
0x88: {  	v10 =	vld [tilespmem:s22+$0x0]  }
0x89: {  	s31 =	sor.u32 $0xB0, s20;
	v28 =	vld.idx.msk [tilespmem:v54+s17+$0x0], $0xffff  }
0x8a: {  	v54 =	vld [tilespmem:s31+$0x0]  }
0x8b: {  	v33 =	vld [tilespmem:s20+$0x850]  }
0x8c: {  	v17 =	vsub.f32 v23, v17;
	v23 =	vld [tilespmem:s20+$0x8B0]  }
0x8d: {  	v56 =	vld [tilespmem:s20+$0x4B0];
	s22 =	sor.u32 $0x2B0, s20;
	v10 =	vmul.u32 $0x6, v10  }
0x8e: {  	s25 =	sor.u32 $0xD0, s20;
	v51 =	vld [tilespmem:s22+$0x0]  }
0x8f: {  	v43 =	vsub.f32 $1.000000000e+00, v43;
	v19 =	vadd.f32 v19, v25;
	v52 =	vld [tilespmem:s25+$0x0];
	v10 =	vadd.s32 v10, v40  }
0x90: {  	v26 =	vld.idx.msk [tilespmem:v59+s17+$0x0], $0xffff;
	v61 =	vmul.u32 $0x6, v54;
	v31 =	vsub.f32 $1.000000000e+00, v33  }
0x91: {  	s26 =	sor.u32 $0x2D0, s20;
	v54 =	vmul.f32 $9.900000090e-01, v43;
	v33 =	vsub.f32 v27, v19;
	v19 =	vadd.f32 v34, v29;
	v40 =	vld.idx.msk [tilespmem:v58+s17+$0x0], $0xffff  }
0x92: {  	v11 =	vsub.f32 v18, v11;
	v58 =	vadd.s32 v61, v56;
	v56 =	vld [tilespmem:s26+$0x0]  }
0x93: {  	v61 =	vmul.u32 $0x6, v53;
	v53 =	vsub.f32 v35, v19;
	v19 =	vmul.f32 v54, v39;
	v54 =	vld [tilespmem:s20+$0x6F0]  }
0x94: {  	v38 =	vsub.f32 $1.000000000e+00, v38;
	v59 =	vsub.f32 $1.000000000e+00, v49;
	v47 =	vld.idx.msk [tilespmem:v10+s11+$0x0], $0xffff  }
0x95: {  	v11 =	vmul.f32 v11, v11;
	v18 =	vmul.f32 $9.900000090e-01, v31;
	v10 =	vmul.u32 $0x6, v45;
	v45 =	vld [tilespmem:s20+$0x880]  }
0x96: {  	s30 =	sor.u32 $0xF0, s20;
	v62 =	vmul.f32 $9.900000090e-01, v59;
	v22 =	vld.idx.msk [tilespmem:v51+s17+$0x0], $0xffff  }
0x97: {  	v7 =	vadd.f32 v11, v7;
	v11 =	vmul.f32 v18, v28;
	v51 =	vmul.f32 $9.900000090e-01, v38;
	v38 =	vld [tilespmem:s30+$0x0]  }
0x98: {  	v63 =	vadd.s32 v61, v63;
	v61 =	vadd.f32 v19, v41;
	v41 =	vld [tilespmem:s20+$0x4E0]  }
0x99: {  	v11 =	vadd.f32 v11, v36;
	v19 =	vmul.f32 v62, v44;
	v44 =	vld [tilespmem:s20+$0x8E0]  }
0x9a: {  	v18 =	vmul.f32 v51, v32;
	v14 =	vld.idx.msk [tilespmem:v58+s11+$0x0], $0xffff;
	v57 =	vsub.f32 $1.000000000e+00, v45  }
0x9b: {  	s29 =	sor.u32 $0x2E0, s20;
	v17 =	vmul.f32 v17, v17;
	v11 =	vsub.f32 v30, v11;
	v58 =	vld [tilespmem:s20+$0x4D0]  }
0x9c: {  	v18 =	vadd.f32 v18, v37;
	v37 =	vld [tilespmem:s29+$0x0];
	v10 =	vadd.s32 v10, v46;
	v28 =	vmul.f32 $9.900000090e-01, v57  }
0x9d: {  	v20 =	vsub.f32 $1.000000000e+00, v20;
	v8 =	vadd.f32 v17, v8;
	v17 =	vmul.f32 v33, v33;
	v46 =	vld [tilespmem:s20+$0x690]  }
0x9e: {  	s28 =	sor.u32 $0xE0, s20;
	v11 =	vmul.f32 v11, v11;
	v13 =	vld.idx.msk [tilespmem:v63+s11+$0x0], $0xffff;
	v12 =	vsub.f32 v12, v18;
	v36 =	vmul.f32 v28, v40  }
0x9f: {  	v23 =	vsub.f32 $1.000000000e+00, v23;
	s31 =	sor.u32 $0x2F0, s20;
	v6 =	vadd.f32 v17, v6;
	v17 =	vmul.f32 v53, v53;
	v63 =	vld [tilespmem:s28+$0x0]  }
0xa0: {  	v8 =	vadd.f32 v11, v8;
	v11 =	vmul.f32 v12, v12;
	v40 =	vld [tilespmem:s31+$0x0];
	v39 =	vadd.f32 v36, v48  }
0xa1: {  	v20 =	vmul.f32 $9.900000090e-01, v20;
	v9 =	vadd.f32 v17, v9;
	v17 =	vsub.f32 v47, v61;
	v50 =	vld.idx.msk [tilespmem:v10+s11+$0x0], $0xffff  }
0xa2: {  	v25 =	vmul.u32 $0x6, v52;
	v7 =	vadd.f32 v11, v7;
	v11 =	vsub.f32 v42, v39;
	v42 =	vld [tilespmem:s20+$0x4F0]  }
0xa3: {  	v33 =	vmul.u32 $0x6, v38;
	v45 =	vsub.f32 $1.000000000e+00, v55;
	v10 =	vld [tilespmem:s20+$0x6A0];
	v17 =	vmul.f32 v17, v17  }
0xa4: {  	v19 =	vadd.f32 v19, v46;
	v31 =	vmul.u32 $0x6, v63;
	v46 =	vld [tilespmem:s20+$0x8F0];
	v11 =	vmul.f32 v11, v11  }
0xa5: {  	v32 =	vld [tilespmem:s20+$0x6D0];
	v25 =	vadd.s32 v25, v58;
	v47 =	vmul.f32 $9.900000090e-01, v45;
	v6 =	vadd.f32 v17, v6  }
0xa6: {  	v27 =	vld.idx.msk [tilespmem:v56+s17+$0x0], $0xffff;
	v43 =	vsub.f32 v50, v19;
	v9 =	vadd.f32 v11, v9;
	v11 =	vadd.s32 v31, v41  }
0xa7: {  	v49 =	vld.idx.msk [tilespmem:v37+s17+$0x0], $0xffff;
	v21 =	vmul.f32 v47, v21;
	v48 =	vmul.f32 $9.900000090e-01, v23;
	v12 =	vadd.s32 v33, v42  }
0xa8: {  	v50 =	vsub.f32 $1.000000000e+00, v60;
	v19 =	vsub.f32 $1.000000000e+00, v44;
	v17 =	vmul.f32 v43, v43;
	v18 =	vld.idx.msk [tilespmem:v40+s17+$0x0], $0xffff  }
0xa9: {  	v51 =	vld [tilespmem:s20+$0x6E0];
	v57 =	vmul.f32 v20, v26;
	v52 =	vsub.f32 $1.000000000e+00, v46;
	v10 =	vadd.f32 v21, v10  }
0xaa: {  	v25 =	vld.idx.msk [tilespmem:v25+s11+$0x0], $0xffff;
	v53 =	vmul.f32 $9.900000090e-01, v50;
	v8 =	vadd.f32 v17, v8;
	v17 =	vmul.f32 v48, v22  }
0xab: {  	v55 =	vmul.f32 $9.900000090e-01, v19;
	v56 =	vmul.f32 $9.900000090e-01, v52;
	v11 =	vld.idx.msk [tilespmem:v11+s11+$0x0], $0xffff  }
0xac: {  	v10 =	vsub.f32 v15, v10;
	v58 =	vmul.f32 v53, v27;
	v16 =	vadd.f32 v17, v16;
	v12 =	vld.idx.msk [tilespmem:v12+s11+$0x0], $0xffff  }
0xad: {  	v15 =	vadd.f32 v57, v24;
	v59 =	vmul.f32 v55, v49;
	v60 =	vmul.f32 v56, v18  }
0xae: {  	v61 =	vadd.f32 v58, v32;
	v14 =	vsub.f32 v14, v16  }
0xaf: {  	v16 =	vadd.f32 v59, v51;
	v17 =	vadd.f32 v60, v54  }
0xb0: {  	p1 =	por p0, p0;
	v13 =	vsub.f32 v13, v15;
	v10 =	vmul.f32 v10, v10;
	v62 =	vsub.f32 v25, v61  }
.Ltmp0:
0xb1: {  	v14 =	vmul.f32 v14, v14;
	v11 =	vsub.f32 v11, v16;
	v12 =	vsub.f32 v12, v17;
	(pc) =	sbr.rel @p1 .LBB2_2-.Ltmp0, $4  }
0xb2: {  	v7 =	vadd.f32 v10, v7;
	v10 =	vmul.f32 v13, v13;
	v63 =	vmul.f32 v62, v62  }
0xb3: {  	v6 =	vadd.f32 v14, v6;
	v11 =	vmul.f32 v11, v11;
	v12 =	vmul.f32 v12, v12  }
0xb4: {  	v9 =	vadd.f32 v10, v9;
	v8 =	vadd.f32 v63, v8  }
0xb5: {  	p0 =	por $0x0, $0x0;
	s20 =	simm.s32 $0x100;
	v7 =	vadd.f32 v11, v7;
	v6 =	vadd.f32 v12, v6  }
0xb6: {  	_ = 	snop  }
0xb7: {  	v8 =	vadd.f32 v8, v9;
	v6 =	vadd.f32 v6, v7;
	_ =	sdelay $0x1  }
0xb8: {  	s19 =	sadd.s32 $0x1, s19;
	v6 =	vadd.f32 v6, v8  }
0xb9: {  	p0 =	sne.s32 s19, s10  }
.Ltmp1:
0xba: {  	[tilespmem:$0xA80] =	vst v6;
	(pc) =	sbr.rel @p0 .LBB2_1-.Ltmp1, $4  }
0xbb: {  	[hbm4b:s7+s3] =	stream.linear.scatter [tilespmem:s17], [sflag:$0x2], $0x10, $0x38;
	[tilespmem:$0xB00] =	vst v63  }
0xbc: {  	_ =	swait.ge [sflag:s18], $0x10  }
0xbd: {  	[sflag:s18] =	ssyncset.done $0x0  }
0xbe: {  	[sflag:s18] =	ssyncadd.s32 $0xFFFFFFF0  }
0xbf: {  	_ =	sfence.sel $0x180000  }
0xc0: {  	[bflag:$0x0] =	sbarrier.arrive $0xFFFF  }
0xc1: {  	p0 =	sne.s32 s2, $0x0;
	_ =	strace $0x90000047  }
0xc2: {  	s0 =	sadd.s32 @!p0 $0x100000, s1;
	[bflag:$0x2] =	sbarrier.arrive $0xFFFF  }
0xc3: {  	[sflag:s0] =	ssyncadd.tile.s32 @!p0 $0x1;
	_ =	shalt  }
.Lfunc_end2:
_tile_overlayer_lowered:
.L_overlay_start_2:
0xc4: {  	(tag) =	ssettag $0x2  }
0xc5: {  	s0 =	rddreg [dreg:$0x0];
	s2 =	stileid.u32  }
0xc6: {  	s1 =	rddreg [dreg:$0x1];
	p0 =	sne.s32 s2, $0x0  }
0xc7: {  	s3 =	rddreg [dreg:$0x2];
	[bflag:$0x3] =	sbarrier.arrive $0xFFFF;
	s2 =	simm.s32 @!p0 $0x1C02  }
0xc8: {  	[timem:s3], [sflag:s2] =	dma.local @!p0 [hbm:s0], s1  }
0xc9: {  	s0 =	simm.s32 @!p0 $0x2  }
0xca: {  	_ =	swait.ge @!p0 [sflag:s0], s1  }
0xcb: {  	s1 =	ssub.s32 @!p0 $0x0, s1;
	[sflag:s0] =	ssyncset.done @!p0 $0x0  }
0xcc: {  	[sflag:s0] =	ssyncadd.s32 @!p0 s1  }
0xcd: {  	[bflag:$0x3] =	sbarrier.arrive $0xFFFF  }
0xce: {  	_ =	shalt  }

</sc_bundles>
